<compile_context>
chip_gen: v7x
topology: tpu7x:2x2x1
jax: 0.10.2.dev20260603
libtpu: 0.0.44.dev20260713+nightly
codegen_flags: <defaults>
</compile_context>

<pallas_src>
import functools

import jax
import jax.numpy as jnp
from jax.experimental import pallas as pl
from jax.experimental.pallas import tpu as pltpu


def _router_body(meta_ref, starts_ref, ends_ref,
                 x_ref, w1_ref, b1_ref, w2_ref, b2_ref, out_ref, *, tile):
    w = pl.program_id(0)
    t = meta_ref[0, w]
    e = meta_ref[1, w]
    valid = meta_ref[2, w]
    first = meta_ref[3, w]

    @pl.when(first == 1)
    def _():
        out_ref[...] = jnp.zeros_like(out_ref)

    @pl.when(valid == 1)
    def _():
        xv = x_ref[...]
        h = jnp.dot(xv, w1_ref[0], preferred_element_type=jnp.float32)
        h = jnp.maximum(h + b1_ref[0], 0.0)
        logits = jnp.dot(h, w2_ref[0], preferred_element_type=jnp.float32)
        logits = logits + b2_ref[0]
        m = jnp.max(logits, axis=-1, keepdims=True)
        p = jnp.exp(logits - m)
        p = p / jnp.sum(p, axis=-1, keepdims=True)
        gidx = t * tile + jax.lax.broadcasted_iota(jnp.int32, (tile, 1), 0)
        mask = (gidx >= starts_ref[e]) & (gidx < ends_ref[e])
        out_ref[...] += jnp.where(mask, p, 0.0)


def kernel(e_two, batch_route_ids, W1, b1, W2, b2):
    Bq, Sq, D = e_two.shape
    E, _, F = W1.shape
    V = W2.shape[2]
    T = Bq * Sq
    TILE = min(512, T)
    nt = T // TILE
    NWI = nt + E - 1

    x = e_two.reshape(T, D)
    rid = batch_route_ids.reshape(T)

    CH = 128
    NC = T // CH
    oh = (rid[None, :] == jnp.arange(E, dtype=jnp.int32)[:, None])
    ohf = oh.astype(jnp.float32).reshape(E, NC, CH)
    tril_ch = (jnp.arange(CH)[:, None] < jnp.arange(CH)[None, :]).astype(
        jnp.float32)
    within = jnp.einsum('ecm,ml->ecl', ohf, tril_ch)
    tot = jnp.sum(ohf, axis=2)
    tril_nc = (jnp.arange(NC)[:, None] < jnp.arange(NC)[None, :]).astype(
        jnp.float32)
    offs = jnp.einsum('em,ml->el', tot, tril_nc)
    rank = (within + offs[:, :, None]).reshape(E, T)
    g = jnp.sum(tot, axis=1).astype(jnp.int32)
    ends = jnp.cumsum(g)
    starts = ends - g
    pos_f = jnp.sum(jnp.where(oh, rank + starts[:, None].astype(jnp.float32),
                              0.0), axis=0)
    inv = pos_f.astype(jnp.int32)

    x_sorted = jnp.zeros((T, D), jnp.float32).at[inv].set(
        x, unique_indices=True, mode='promise_in_bounds')

    first_tile = starts // TILE
    last_tile = jnp.where(g > 0, (ends - 1) // TILE, 0)
    ntile_e = jnp.where(g > 0, last_tile - first_tile + 1, 0)
    item_end = jnp.cumsum(ntile_e)
    item_start = item_end - ntile_e
    total = item_end[E - 1]

    wids = jnp.arange(NWI, dtype=jnp.int32)
    e_of_w = jnp.sum(wids[:, None] >= item_end[None, :], axis=1)
    e_of_w = jnp.minimum(e_of_w, E - 1).astype(jnp.int32)
    tile_w = jnp.take(first_tile, e_of_w) + (wids - jnp.take(item_start, e_of_w))
    validm = wids < total
    last_idx = jnp.maximum(total - 1, 0)
    tile_w = jnp.where(validm, tile_w, jnp.take(tile_w, last_idx))
    route_w = jnp.where(validm, e_of_w, jnp.take(e_of_w, last_idx))
    prev_tile = jnp.concatenate(
        [jnp.full((1,), -1, jnp.int32), tile_w[:-1]])
    is_first = (tile_w != prev_tile).astype(jnp.int32)
    meta = jnp.stack([tile_w, route_w, validm.astype(jnp.int32), is_first])

    grid_spec = pltpu.PrefetchScalarGridSpec(
        num_scalar_prefetch=3,
        grid=(NWI,),
        in_specs=[
            pl.BlockSpec((TILE, D), lambda w, meta, s, e: (meta[0, w], 0)),
            pl.BlockSpec((1, D, F), lambda w, meta, s, e: (meta[1, w], 0, 0)),
            pl.BlockSpec((1, 1, F), lambda w, meta, s, e: (meta[1, w], 0, 0)),
            pl.BlockSpec((1, F, V), lambda w, meta, s, e: (meta[1, w], 0, 0)),
            pl.BlockSpec((1, 1, V), lambda w, meta, s, e: (meta[1, w], 0, 0)),
        ],
        out_specs=pl.BlockSpec((TILE, V), lambda w, meta, s, e: (meta[0, w], 0)),
    )
    probs_sorted = pl.pallas_call(
        functools.partial(_router_body, tile=TILE),
        grid_spec=grid_spec,
        out_shape=jax.ShapeDtypeStruct((T, V), jnp.float32),
        compiler_params=pltpu.CompilerParams(
            dimension_semantics=("arbitrary",)),
    )(meta, starts, ends, x_sorted, W1,
      b1.reshape(E, 1, F), W2, b2.reshape(E, 1, V))

    out = probs_sorted.at[inv].get(unique_indices=True,
                                   mode='promise_in_bounds')
    return out.reshape(Bq, Sq, V)

# --- scband reference (transcript-rebuilt; emitter-appended) ---
"""Pipeline reference for scband-category-router-34668976013723 (READ-ONLY COPY).

The authoritative reference and input builder live on the scoring server;
editing this copy changes nothing except your own understanding.
"""

import jax, jax.numpy as jnp
import numpy as np

E = 8   # number of routes / classification heads
D = 768 # hidden_dim
F = 768 # ff_dim
V = 512 # vocab size per route
B = 2   # batch
S = 2048 # seq_len


def setup_inputs(seed: int = 0) -> dict:
    key = jax.random.key(seed)
    k0, k1, k2, k3 = jax.random.split(key, 4)
    e_two = jax.random.normal(k0, (B, S, D), dtype=jnp.float32)
    batch_route_ids = jax.random.randint(k1, (B, S), 0, E, dtype=jnp.int32)
    # Per-route OutputTokenClassificationHead parameters: Linear(D->F), ReLU, (dropout=eval no-op), Linear(F->V), softmax
    W1 = jax.random.normal(k2, (E, D, F), dtype=jnp.float32) * 0.02
    b1 = jnp.zeros((E, F), dtype=jnp.float32)
    W2 = jax.random.normal(k3, (E, F, V), dtype=jnp.float32) * 0.02
    b2 = jnp.zeros((E, V), dtype=jnp.float32)
    return {"e_two": e_two, "batch_route_ids": batch_route_ids, "W1": W1, "b1": b1, "W2": W2, "b2": b2}


def reference(e_two, batch_route_ids, W1, b1, W2, b2):
    # Vectorized equivalent of the per-(i,j) Python loop in CategoryRouter.forward:
    # each token embedding is routed to the classification head indexed by its route_id,
    # which applies Linear -> ReLU -> (dropout, eval no-op) -> Linear -> softmax.
    Bq, Sq, Dq = e_two.shape
    T = Bq * Sq
    x = e_two.reshape(T, Dq)
    rid = batch_route_ids.reshape(T)
    # compute every head on every token, then gather the head selected per token
    h = jnp.einsum('td,edf->etf', x, W1) + b1[:, None, :]
    h = jax.nn.relu(h)
    logits = jnp.einsum('etf,efv->etv', h, W2) + b2[:, None, :]
    sel = logits[rid, jnp.arange(T), :]  # [T, V] gather per-token head output
    probs = jax.nn.softmax(sel, axis=-1)
    return probs.reshape(Bq, Sq, -1)

if __name__ == "__main__":
    import jax
    _d = setup_inputs()
    print(jax.jit(kernel)(*tuple(_d.values())))

</pallas_src>

<mosaic_0001>
module attributes {stable_mosaic.version = 14 : i64} {
  func.func @_router_body(%arg0: i32, %arg1: memref<4x15xi32, #tpu.memory_space<smem>>, %arg2: memref<8xi32, #tpu.memory_space<smem>>, %arg3: memref<8xi32, #tpu.memory_space<smem>>, %arg4: memref<512x768xf32, #tpu.memory_space<vmem>>, %arg5: memref<1x768x768xf32, #tpu.memory_space<vmem>>, %arg6: memref<1x1x768xf32, #tpu.memory_space<vmem>>, %arg7: memref<1x768x512xf32, #tpu.memory_space<vmem>>, %arg8: memref<1x1x512xf32, #tpu.memory_space<vmem>>, %arg9: memref<512x512xf32, #tpu.memory_space<vmem>>) attributes {dimension_semantics = [#tpu.dimension_semantics<arbitrary>], iteration_bounds = array<i64: 15>, scalar_prefetch = 3 : i64, scratch_operands = 0 : i64, tpu.core_type = #tpu.core_type<tc>, window_params = [{transform_indices = @transform_0, window_bounds = array<i64: 512, 768>}, {transform_indices = @transform_1, window_bounds = array<i64: 1, 768, 768>}, {transform_indices = @transform_2, window_bounds = array<i64: 1, 1, 768>}, {transform_indices = @transform_3, window_bounds = array<i64: 1, 768, 512>}, {transform_indices = @transform_4, window_bounds = array<i64: 1, 1, 512>}, {transform_indices = @transform_5, window_bounds = array<i64: 512, 512>}]} {
    %get3A = arith.constant 0 : index
    %get3A_0 = arith.index_cast %arg0 : i32 to index
    %get3A_1 = memref.load %arg1[%get3A, %get3A_0] : memref<4x15xi32, #tpu.memory_space<smem>>
    %get3A_2 = arith.constant 1 : index
    %get3A_3 = arith.index_cast %arg0 : i32 to index
    %get3A_4 = memref.load %arg1[%get3A_2, %get3A_3] : memref<4x15xi32, #tpu.memory_space<smem>>
    %get3A_5 = arith.constant 2 : index
    %get3A_6 = arith.index_cast %arg0 : i32 to index
    %get3A_7 = memref.load %arg1[%get3A_5, %get3A_6] : memref<4x15xi32, #tpu.memory_space<smem>>
    %get3A_8 = arith.constant 3 : index
    %get3A_9 = arith.index_cast %arg0 : i32 to index
    %get3A_10 = memref.load %arg1[%get3A_8, %get3A_9] : memref<4x15xi32, #tpu.memory_space<smem>>
    %eq3A = arith.constant 1 : i32
    %eq3A_11 = arith.cmpi eq, %get3A_10, %eq3A : i32
    %convert_element_type3A = arith.extui %eq3A_11 : i1 to i32
    %cond3A = arith.constant 0 : i32
    %cond3A_12 = arith.cmpi ne, %convert_element_type3A, %cond3A : i32
    scf.if %cond3A_12 {
      %broadcast_in_dim3A = arith.constant 0.000000e+00 : f32
      %broadcast_in_dim3A_18 = vector.broadcast %broadcast_in_dim3A : f32 to vector<512x512xf32>
      %swap3A = arith.constant 0 : index
      %swap3A_19 = arith.constant 0 : index
      %swap3A_20 = vector.load %arg9[%swap3A, %swap3A_19] : memref<512x512xf32, #tpu.memory_space<vmem>>, vector<512x512xf32>
      tpu.vector_store %arg9[%swap3A, %swap3A_19], %broadcast_in_dim3A_18 {strides = array<i32>} : memref<512x512xf32, #tpu.memory_space<vmem>>, vector<512x512xf32>,
    } else {
    }
    %eq3A_13 = arith.constant 1 : i32
    %eq3A_14 = arith.cmpi eq, %get3A_7, %eq3A_13 : i32
    %convert_element_type3A_15 = arith.extui %eq3A_14 : i1 to i32
    %cond3A_16 = arith.constant 0 : i32
    %cond3A_17 = arith.cmpi ne, %convert_element_type3A_15, %cond3A_16 : i32
    scf.if %cond3A_17 {
      %get3A_18 = arith.constant 0 : index
      %get3A_19 = arith.constant 0 : index
      %get3A_20 = vector.load %arg4[%get3A_18, %get3A_19] : memref<512x768xf32, #tpu.memory_space<vmem>>, vector<512x768xf32>
      %get3A_21 = arith.constant 0 : index
      %get3A_22 = arith.constant 0 : index
      %get3A_23 = arith.constant 0 : index
      %get3A_24 = vector.load %arg5[%get3A_21, %get3A_22, %get3A_23] : memref<1x768x768xf32, #tpu.memory_space<vmem>>, vector<1x768x768xf32>
      %get3A_25 = vector.shape_cast %get3A_24 : vector<1x768x768xf32> to vector<768x768xf32>
      %dot_general3A = arith.constant dense<0.000000e+00> : vector<512x768xf32>
      %dot_general3A_26 = tpu.matmul %get3A_20, %get3A_25, %dot_general3A {dimension_numbers = #tpu.dot_dimension_numbers<[1], [0], [0], [1], [0, 0, 1, 1], [], []>, transpose_lhs_hint = false} : vector<512x768xf32>, vector<768x768xf32>, vector<512x768xf32> -> vector<512x768xf32>
      %get3A_27 = arith.constant 0 : index
      %get3A_28 = arith.constant 0 : index
      %get3A_29 = arith.constant 0 : index
      %get3A_30 = vector.load %arg6[%get3A_27, %get3A_28, %get3A_29] : memref<1x1x768xf32, #tpu.memory_space<vmem>>, vector<1x1x768xf32>
      %get3A_31 = vector.shape_cast %get3A_30 : vector<1x1x768xf32> to vector<1x768xf32>
      %add3A = vector.broadcast %get3A_31 : vector<1x768xf32> to vector<512x768xf32>
      %add3A_32 = arith.addf %dot_general3A_26, %add3A : vector<512x768xf32>
      %max3A = arith.constant 0.000000e+00 : f32
      %max3A_33 = vector.broadcast %max3A : f32 to vector<512x768xf32>
      %max3A_34 = arith.maximumf %add3A_32, %max3A_33 : vector<512x768xf32>
      %get3A_35 = arith.constant 0 : index
      %get3A_36 = arith.constant 0 : index
      %get3A_37 = arith.constant 0 : index
      %get3A_38 = vector.load %arg7[%get3A_35, %get3A_36, %get3A_37] : memref<1x768x512xf32, #tpu.memory_space<vmem>>, vector<1x768x512xf32>
      %get3A_39 = vector.shape_cast %get3A_38 : vector<1x768x512xf32> to vector<768x512xf32>
      %dot_general3A_40 = arith.constant dense<0.000000e+00> : vector<512x512xf32>
      %dot_general3A_41 = tpu.matmul %max3A_34, %get3A_39, %dot_general3A_40 {dimension_numbers = #tpu.dot_dimension_numbers<[1], [0], [0], [1], [0, 0, 1, 1], [], []>, transpose_lhs_hint = false} : vector<512x768xf32>, vector<768x512xf32>, vector<512x512xf32> -> vector<512x512xf32>
      %get3A_42 = arith.constant 0 : index
      %get3A_43 = arith.constant 0 : index
      %get3A_44 = arith.constant 0 : index
      %get3A_45 = vector.load %arg8[%get3A_42, %get3A_43, %get3A_44] : memref<1x1x512xf32, #tpu.memory_space<vmem>>, vector<1x1x512xf32>
      %get3A_46 = vector.shape_cast %get3A_45 : vector<1x1x512xf32> to vector<1x512xf32>
      %add3A_47 = vector.broadcast %get3A_46 : vector<1x512xf32> to vector<512x512xf32>
      %add3A_48 = arith.addf %dot_general3A_41, %add3A_47 : vector<512x512xf32>
      %reduce_max3A = arith.constant dense<0xFF800000> : vector<512xf32>
      %reduce_max3A_49 = vector.multi_reduction <maximumf>, %add3A_48, %reduce_max3A [1] : vector<512x512xf32> to vector<512xf32>
      %broadcast_in_dim3A = vector.shape_cast %reduce_max3A_49 : vector<512xf32> to vector<512x1xf32>
      %sub3A = vector.broadcast %broadcast_in_dim3A : vector<512x1xf32> to vector<512x512xf32>
      %sub3A_50 = arith.subf %add3A_48, %sub3A : vector<512x512xf32>
      %exp3A = math.exp %sub3A_50 : vector<512x512xf32>
      %reduce_sum3A = arith.constant dense<0.000000e+00> : vector<512xf32>
      %reduce_sum3A_51 = vector.multi_reduction <add>, %exp3A, %reduce_sum3A [1] : vector<512x512xf32> to vector<512xf32>
      %broadcast_in_dim3A_52 = vector.shape_cast %reduce_sum3A_51 : vector<512xf32> to vector<512x1xf32>
      %div3A = vector.broadcast %broadcast_in_dim3A_52 : vector<512x1xf32> to vector<512x512xf32>
      %div3A_53 = arith.divf %exp3A, %div3A : vector<512x512xf32>
      %mul3A = arith.constant 512 : i32
      %mul3A_54 = arith.muli %get3A_1, %mul3A : i32
      %iota3A = tpu.iota {dimensions = array<i32: 0>} : vector<512x1xi32>
      %add3A_55 = vector.broadcast %mul3A_54 : i32 to vector<512x1xi32>
      %add3A_56 = arith.addi %add3A_55, %iota3A : vector<512x1xi32>
      %get3A_57 = arith.index_cast %get3A_4 : i32 to index
      %get3A_58 = memref.load %arg2[%get3A_57] : memref<8xi32, #tpu.memory_space<smem>>
      %ge3A = vector.broadcast %get3A_58 : i32 to vector<512x1xi32>
      %ge3A_59 = arith.cmpi sge, %add3A_56, %ge3A : vector<512x1xi32>
      %get3A_60 = arith.index_cast %get3A_4 : i32 to index
      %get3A_61 = memref.load %arg3[%get3A_60] : memref<8xi32, #tpu.memory_space<smem>>
      %lt3A = vector.broadcast %get3A_61 : i32 to vector<512x1xi32>
      %lt3A_62 = arith.cmpi slt, %add3A_56, %lt3A : vector<512x1xi32>
      %and3A = arith.andi %ge3A_59, %lt3A_62 : vector<512x1xi1>
      %get3A_63 = arith.constant 0 : index
      %get3A_64 = arith.constant 0 : index
      %get3A_65 = vector.load %arg9[%get3A_63, %get3A_64] : memref<512x512xf32, #tpu.memory_space<vmem>>, vector<512x512xf32>
      %jit3A = arith.constant 0.000000e+00 : f32
      %broadcast_in_dim3A_66 = vector.shape_cast %and3A : vector<512x1xi1> to vector<512x1xi1>
      %broadcast_in_dim3A_67 = vector.broadcast %broadcast_in_dim3A_66 : vector<512x1xi1> to vector<512x512xi1>
      %broadcast_in_dim3A_68 = vector.broadcast %jit3A : f32 to vector<512x512xf32>
      %select_n3A = arith.select %broadcast_in_dim3A_67, %div3A_53, %broadcast_in_dim3A_68 : vector<512x512xi1>, vector<512x512xf32>
      %add3A_69 = arith.addf %get3A_65, %select_n3A : vector<512x512xf32>
      %swap3A = arith.constant 0 : index
      %swap3A_70 = arith.constant 0 : index
      %swap3A_71 = vector.load %arg9[%swap3A, %swap3A_70] : memref<512x512xf32, #tpu.memory_space<vmem>>, vector<512x512xf32>
      tpu.vector_store %arg9[%swap3A, %swap3A_70], %add3A_69 {strides = array<i32>} : memref<512x512xf32, #tpu.memory_space<vmem>>, vector<512x512xf32>,
    } else {
    }
    return
  }
  func.func @transform_0(%arg0: i32, %arg1: memref<4x15xi32, #tpu.memory_space<smem>>, %arg2: memref<8xi32, #tpu.memory_space<smem>>, %arg3: memref<8xi32, #tpu.memory_space<smem>>) -> (i32, i32) {
    %get3A = arith.constant 0 : index
    %get3A_0 = arith.index_cast %arg0 : i32 to index
    %get3A_1 = memref.load %arg1[%get3A, %get3A_0] : memref<4x15xi32, #tpu.memory_space<smem>>
    %c0_i32 = arith.constant 0 : i32
    %c0_i32_2 = arith.constant 0 : i32
    return %get3A_1, %c0_i32 : i32, i32
  }
  func.func @transform_1(%arg0: i32, %arg1: memref<4x15xi32, #tpu.memory_space<smem>>, %arg2: memref<8xi32, #tpu.memory_space<smem>>, %arg3: memref<8xi32, #tpu.memory_space<smem>>) -> (i32, i32, i32) {
    %get3A = arith.constant 1 : index
    %get3A_0 = arith.index_cast %arg0 : i32 to index
    %get3A_1 = memref.load %arg1[%get3A, %get3A_0] : memref<4x15xi32, #tpu.memory_space<smem>>
    %c0_i32 = arith.constant 0 : i32
    %c0_i32_2 = arith.constant 0 : i32
    %c0_i32_3 = arith.constant 0 : i32
    return %get3A_1, %c0_i32, %c0_i32_2 : i32, i32, i32
  }
  func.func @transform_2(%arg0: i32, %arg1: memref<4x15xi32, #tpu.memory_space<smem>>, %arg2: memref<8xi32, #tpu.memory_space<smem>>, %arg3: memref<8xi32, #tpu.memory_space<smem>>) -> (i32, i32, i32) {
    %get3A = arith.constant 1 : index
    %get3A_0 = arith.index_cast %arg0 : i32 to index
    %get3A_1 = memref.load %arg1[%get3A, %get3A_0] : memref<4x15xi32, #tpu.memory_space<smem>>
    %c0_i32 = arith.constant 0 : i32
    %c0_i32_2 = arith.constant 0 : i32
    %c0_i32_3 = arith.constant 0 : i32
    return %get3A_1, %c0_i32, %c0_i32_2 : i32, i32, i32
  }
  func.func @transform_3(%arg0: i32, %arg1: memref<4x15xi32, #tpu.memory_space<smem>>, %arg2: memref<8xi32, #tpu.memory_space<smem>>, %arg3: memref<8xi32, #tpu.memory_space<smem>>) -> (i32, i32, i32) {
    %get3A = arith.constant 1 : index
    %get3A_0 = arith.index_cast %arg0 : i32 to index
    %get3A_1 = memref.load %arg1[%get3A, %get3A_0] : memref<4x15xi32, #tpu.memory_space<smem>>
    %c0_i32 = arith.constant 0 : i32
    %c0_i32_2 = arith.constant 0 : i32
    %c0_i32_3 = arith.constant 0 : i32
    return %get3A_1, %c0_i32, %c0_i32_2 : i32, i32, i32
  }
  func.func @transform_4(%arg0: i32, %arg1: memref<4x15xi32, #tpu.memory_space<smem>>, %arg2: memref<8xi32, #tpu.memory_space<smem>>, %arg3: memref<8xi32, #tpu.memory_space<smem>>) -> (i32, i32, i32) {
    %get3A = arith.constant 1 : index
    %get3A_0 = arith.index_cast %arg0 : i32 to index
    %get3A_1 = memref.load %arg1[%get3A, %get3A_0] : memref<4x15xi32, #tpu.memory_space<smem>>
    %c0_i32 = arith.constant 0 : i32
    %c0_i32_2 = arith.constant 0 : i32
    %c0_i32_3 = arith.constant 0 : i32
    return %get3A_1, %c0_i32, %c0_i32_2 : i32, i32, i32
  }
  func.func @transform_5(%arg0: i32, %arg1: memref<4x15xi32, #tpu.memory_space<smem>>, %arg2: memref<8xi32, #tpu.memory_space<smem>>, %arg3: memref<8xi32, #tpu.memory_space<smem>>) -> (i32, i32) {
    %get3A = arith.constant 0 : index
    %get3A_0 = arith.index_cast %arg0 : i32 to index
    %get3A_1 = memref.load %arg1[%get3A, %get3A_0] : memref<4x15xi32, #tpu.memory_space<smem>>
    %c0_i32 = arith.constant 0 : i32
    %c0_i32_2 = arith.constant 0 : i32
    return %get3A_1, %c0_i32 : i32, i32
  }
}

</mosaic_0001>

<sc_bundles>
// kernel: gather_offload_async_start
scs
__scs_entry_jumppad:
0x0: {  	(pc) =	sbr.rel $0x88, $3  }
0x1: {  	(tag) =	ssettag $0x0;
	lr =	simm.s32 $0x1  }
0x2: {  	[smem:$0x3F9B] =	sst lr;
	_ =	strace $0xD0000000  }
0x3: {  	_ = 	snop  }
0x4: {  	_ = 	snop  }
0x5: {  	_ = 	snop  }
0x6: {  	_ = 	snop  }
0x7: {  	_ = 	snop  }
__scs_overlays_trampoline_lowered:
0x8: {  	[smem:$0x3FAA] =	sst s0  }
0x9: {  	[smem:$0x3FAB] =	sst s1  }
0xa: {  	[smem:$0x3FAC] =	sst s2  }
0xb: {  	[smem:$0x3FAD] =	sst s3  }
0xc: {  	[smem:$0x3FAE] =	sst s4  }
0xd: {  	[smem:$0x3FAF] =	sst s5  }
0xe: {  	[smem:$0x3FB0] =	sst s6  }
0xf: {  	[smem:$0x3FB1] =	sst s7  }
0x10: {  	[smem:$0x3FB2] =	sst s8  }
0x11: {  	[smem:$0x3FB3] =	sst s9;
	s0 =	simm.s32 @!p0 $0x0  }
0x12: {  	s1 =	sld [smem:$0x3F99];
	s0 =	simm.s32 @p0 $0x1  }
0x13: {  	[smem:$0x3FB4] =	sst s0;
	s0 =	simm.s32 @!p1 $0x0  }
0x14: {  	s2 =	sld [smem:$0x3F98];
	s0 =	simm.s32 @p1 $0x1  }
0x15: {  	[smem:$0x3FB5] =	sst s0;
	s0 =	simm.s32 @!p2 $0x0  }
0x16: {  	s3 =	sld [smem:$0x3FDB];
	s0 =	simm.s32 @p2 $0x1  }
0x17: {  	s4 =	simm.s32 $0x1BF5;
	[smem:$0x3FB7] =	sst s0  }
0x18: {  	s0 =	sld [smem:$0x3F9A];
	_ =	swait.ge [sflag:s4], $0x0  }
0x19: {  	s7 =	sld [smem:$0x3F9B]  }
0x1a: {  	s8 =	sadd.s32 $0xFFFFE003, lr  }
0x1b: {  	s9 =	sadd.s32 $0xFFFFFEF7, lr;
	s5 =	simm.s32 $0xFFFFFFFF;
	p2 =	slt.u32 s8, $0xFFFFF086  }
0x1c: {  	p1 =	slt.u32 s9, $0xF7A;
	s5 =	simm.s32 @!p2 $0x0  }
0x1d: {  	s5 =	simm.s32 @p1 $0x1;
	p0 =	seq.s32 s7, s2  }
0x1e: {  	s7 =	smul.u32 @!p0 $0xF7A, s2;
	p2 =	seq.s32 @!p0 s5, $0x0  }
0x1f: {  	s9 =	smul.u32 $0xF7A, s1;
	s8 =	simm.s32 @!p0 $0x1BF5;
	p2 =	por !p2, p0  }
0x20: {  	[sflag:s8] =	ssyncset.s32 @!p0 $0xFFFFF086;
	s6 =	sadd.s32 @!p0 s3, s7;
	s7 =	simm.s32 @!p0 $0x108  }
0x21: {  	s3 =	sadd.s32 s3, s9;
	s6 =	sadd.s32 @!p0 $0x88, s6;
	s7 =	simm.s32 @p2 $0x1082  }
0x22: {  	[simem:s7], [sflag:s8] =	dma.local @!p0 [hbm:s6], $0xF7A  }
0x23: {  	s9 =	sor.u32 $0xD0000000, s2;
	s6 =	simm.s32 $0x108;
	_ =	swait.ge @!p0 [sflag:s8], $0x0  }
0x24: {  	s3 =	sadd.s32 $0x88, s3;
	s6 =	simm.s32 @!p1 $0x1082;
	[sflag:s4] =	ssyncset.s32 $0xFFFFF086  }
0x25: {  	[simem:s6], [sflag:s4] =	dma.local [hbm:s3], $0xF7A  }
0x26: {  	[smem:$0x3F9B] =	sst s1;
	(tag) =	ssettag s2;
	_ =	strace s9  }
0x27: {  	s1 =	sld [smem:$0x3FAB]  }
0x28: {  	s2 =	sld [smem:$0x3FAC]  }
0x29: {  	s4 =	sld [smem:$0x3FAE]  }
0x2a: {  	p0 =	seq.s32 s5, $0x0;
	s5 =	sld [smem:$0x3FAF]  }
0x2b: {  	s6 =	sld [smem:$0x3FB0]  }
0x2c: {  	s7 =	sld [smem:$0x3FB1]  }
0x2d: {  	s3 =	simm.s32 $0x108;
	s8 =	sld [smem:$0x3FB2]  }
0x2e: {  	s3 =	simm.s32 @!p0 $0x1082;
	s9 =	sld [smem:$0x3FB3]  }
0x2f: {  	lr =	sadd.s32 s0, s3;
	s0 =	sld [smem:$0x3FAA]  }
0x30: {  	s3 =	sld [smem:$0x3FAD]  }
0x31: {  	[smem:$0x3FB6] =	sst s10  }
0x32: {  	s10 =	sld [smem:$0x3FB4];
	_ =	sdelay $0x3  }
0x33: {  	p0 =	seq.s32 s10, $0x1;
	s10 =	sld [smem:$0x3FB6];
	_ =	sdelay $0x3  }
0x34: {  	[smem:$0x3FB6] =	sst s10  }
0x35: {  	s10 =	sld [smem:$0x3FB5];
	_ =	sdelay $0x3  }
0x36: {  	p1 =	seq.s32 s10, $0x1;
	s10 =	sld [smem:$0x3FB6];
	_ =	sdelay $0x3  }
0x37: {  	[smem:$0x3FB6] =	sst s10  }
0x38: {  	s10 =	sld [smem:$0x3FB7]  }
0x39: {  	_ = 	snop;
	(pc) =	sbr.ind lr, $3  }
0x3a: {  	_ = 	snop  }
0x3b: {  	_ = 	snop  }
0x3c: {  	p2 =	seq.s32 s10, $0x1;
	s10 =	sld [smem:$0x3FB6]  }
0x3d: {  	_ =	shalt  }
0x3e: {  	_ =	shalt  }
0x3f: {  	_ =	shalt  }
0x40: {  	_ =	shalt  }
0x41: {  	_ =	shalt  }
0x42: {  	_ =	shalt  }
0x43: {  	_ =	shalt  }
0x44: {  	_ =	shalt  }
0x45: {  	_ =	shalt  }
0x46: {  	_ =	shalt  }
0x47: {  	_ =	shalt  }
0x48: {  	_ =	shalt  }
0x49: {  	_ =	shalt  }
0x4a: {  	_ =	shalt  }
0x4b: {  	_ =	shalt  }
0x4c: {  	_ =	shalt  }
0x4d: {  	_ =	shalt  }
0x4e: {  	_ =	shalt  }
0x4f: {  	_ =	shalt  }
0x50: {  	_ =	shalt  }
0x51: {  	_ =	shalt  }
0x52: {  	_ =	shalt  }
0x53: {  	_ =	shalt  }
0x54: {  	_ =	shalt  }
0x55: {  	_ =	shalt  }
0x56: {  	_ =	shalt  }
0x57: {  	_ =	shalt  }
0x58: {  	_ =	shalt  }
0x59: {  	_ =	shalt  }
0x5a: {  	_ =	shalt  }
0x5b: {  	_ =	shalt  }
0x5c: {  	_ =	shalt  }
0x5d: {  	_ =	shalt  }
0x5e: {  	_ =	shalt  }
0x5f: {  	_ =	shalt  }
0x60: {  	_ =	shalt  }
0x61: {  	_ =	shalt  }
0x62: {  	_ =	shalt  }
0x63: {  	_ =	shalt  }
0x64: {  	_ =	shalt  }
0x65: {  	_ =	shalt  }
0x66: {  	_ =	shalt  }
0x67: {  	_ =	shalt  }
0x68: {  	_ =	shalt  }
0x69: {  	_ =	shalt  }
0x6a: {  	_ =	shalt  }
0x6b: {  	_ =	shalt  }
0x6c: {  	_ =	shalt  }
0x6d: {  	_ =	shalt  }
0x6e: {  	_ =	shalt  }
0x6f: {  	_ =	shalt  }
0x70: {  	_ =	shalt  }
0x71: {  	_ =	shalt  }
0x72: {  	_ =	shalt  }
0x73: {  	_ =	shalt  }
0x74: {  	_ =	shalt  }
0x75: {  	_ =	shalt  }
0x76: {  	_ =	shalt  }
0x77: {  	_ =	shalt  }
0x78: {  	_ =	shalt  }
0x79: {  	_ =	shalt  }
0x7a: {  	_ =	shalt  }
0x7b: {  	_ =	shalt  }
0x7c: {  	_ =	shalt  }
0x7d: {  	_ =	shalt  }
0x7e: {  	_ =	shalt  }
0x7f: {  	_ =	shalt  }
0x80: {  	_ =	shalt  }
0x81: {  	_ =	shalt  }
0x82: {  	_ =	shalt  }
0x83: {  	_ =	shalt  }
0x84: {  	_ =	shalt  }
0x85: {  	_ =	shalt  }
0x86: {  	_ =	shalt  }
0x87: {  	_ =	shalt  }
.Lfunc_end0:
.L_simem_size_0:
called_computation_lowered:
.L_overlay_start_0:
0x88: {  	s2 =	sld [smem:$0x3FD9]  }
0x89: {  	s3 =	sld [smem:$0x3FFE];
	_ =	sdelay $0x1  }
0x8a: {  	s1 =	srdreg.scid  }
0x8b: {  	s0 =	sand.u32 $0x1, s1  }
0x8c: {  	s17 =	sshll.u32 s0, $0xA;
	s2 =	sadd.s32 s3, s2  }
0x8d: {  	s2 =	sadd.s32 s2, s17  }
0x8e: {  	[smem:$0x3FC2] =	sst s2  }
0x8f: {  	_ = 	snop  }
0x90: {  	s2 =	sld [smem:$0x3FD0];
	(tm) =	ssettm $0x1  }
0x91: {  	s18 =	sld [smem:$0x3FFB];
	_ =	sdelay $0x3  }
0x92: {  	_ =	strace s18  }
0x93: {  	s3 =	sld [smem:$0x3FFC];
	_ =	sdelay $0x3  }
0x94: {  	_ =	strace s3  }
0x95: {  	s3 =	sld [smem:$0x3FFD];
	_ =	sdelay $0x3  }
0x96: {  	_ =	strace s3  }
0x97: {  	_ =	strace $0x8FFFFFFF  }
0x98: {  	s19 =	sld [smem:$0x3FDB];
	_ =	sdelay $0x1  }
0x99: {  	s4 =	simm.s32 $_scs_section_size  }
0x9a: {  	s5 =	simm.s32 $_size__tile_overlayer_lowered;
	s6 =	simm.s32 $_tile_overlayer_lowered  }
0x9b: {  	s22 =	simm.s32 $0x1BFF;
	s21 =	sshll.u32 s6, $0x1;
	s3 =	sadd.s32 s4, s19  }
0x9c: {  	s7 =	simm.s32 $0x0;
	s20 =	sshll.u32 s5, $0x1;
	s5 =	sadd.s32 s21, s3  }
0x9d: {  	[timem:s7], [sflag:s22] =	dma.local [hbm:s5], s20  }
0x9e: {  	_ =	swait.ge [sflag:s22], s20  }
0x9f: {  	s4 =	ssub.s32 $0x0, s20;
	[sflag:s22] =	ssyncset.done $0x0  }
0xa0: {  	[sflag:s22] =	ssyncadd.s32 s4;
	_ =	sdelay $0x1  }
0xa1: {  	s23 =	simm.s32 $0x1B8B  }
0xa2: {  	_ =	swait.ge [sflag:s23], $0x1  }
0xa3: {  	[sflag:s23] =	ssyncset.done $0x0  }
0xa4: {  	s25 =	simm.s32 $0x1B8E;
	s24 =	sld [smem:$0x3FFE];
	[sflag:s23] =	ssyncadd.s32 $0xFFFFFFFF  }
0xa5: {  	s26 =	simm.s32 $execute0_lowered;
	[smem:$0x3FD2] =	sst s25  }
0xa6: {  	s5 =	sshll.u32 s26, $0x1;
	_ =	strace $0x80000046;
	[dreg:$0x1] =	wrdreg $0xFFFFFFFF  }
0xa7: {  	s28 =	simm.s32 $_size_execute0_lowered;
	s3 =	sadd.s32 s3, s5;
	[dreg:$0x0] =	wrdreg $0x0  }
0xa8: {  	s5 =	sshll.u32 s28, $0x1;
	[dreg:$0x2] =	wrdreg s3  }
0xa9: {  	[dreg:$0x3] =	wrdreg s5  }
0xaa: {  	[dreg:$0x4] =	wrdreg $0xC0  }
0xab: {  	_ =	task [dreg:s7], $0x5FFFF  }
0xac: {  	[dreg:$0x1] =	wrdreg $0xFFFFFFFF  }
0xad: {  	[dreg:$0x0] =	wrdreg $0x60  }
0xae: {  	[dreg:$0x2] =	wrdreg s24  }
0xaf: {  	[dreg:$0x3] =	wrdreg s2  }
0xb0: {  	[dreg:$0x4] =	wrdreg $0x9  }
0xb1: {  	_ =	task.clear_ibuf [dreg:s7], $0x5FFFF;
	_ =	strace $0x90000046  }
0xb2: {  	s29 =	simm.s32 $0x9;
	_ =	strace $0x80000048  }
0xb3: {  	_ =	swait.ge [sflag:s29], $0x1  }
0xb4: {  	[sflag:s29] =	ssyncadd.s32 $0xFFFFFFFF  }
0xb5: {  	_ =	strace $0x90000048  }
0xb6: {  	_ =	sfence  }
0xb7: {  	s30 =	sld [smem:$0x0];
	_ =	sdelay $0x2  }
0xb8: {  	s31 =	sshll.u32 s1, $0xD;
	s1 =	sshrl.u32 s1, $0x2  }
0xb9: {  	s3 =	sand.u32 $0x4000, s31;
	s1 =	sadd.s32 s1, s30  }
0xba: {  	s0 =	sor.u32 s3, s0;
	s1 =	sshll.u32 s1, $0x11  }
0xbb: {  	s0 =	sor.u32 s1, s0  }
0xbc: {  	s0 =	sadd.s32 $0x8F2B, s0  }
0xbd: {  	[sflag:s0] =	ssyncadd.remote.s32 $0x1  }
0xbe: {  	_ =	sfence.sel $0xFFFF  }
0xbf: {  	[dreg:$0x0] =	wrdreg $0xFFFFFFFF;
	(pc) =	sbr.abs _section_cstart, $3  }
0xc0: {  	[dreg:$0x1] =	wrdreg $0xFFFFFFFF  }
0xc1: {  	_ =	task.clear_ibuf [dreg:s7], $0x2FFFF;
	_ =	strace $0x9FFFFFFF  }
0xc2: {  	(tm) =	ssettm $0x7FFFFFFF  }
0xc3: {  	_ =	shalt  }
tec
execute0_lowered:
.L_overlay_start_1:
0x0: {  	(tag) =	ssettag $0x1  }
0x1: {  	s7 =	rddreg [dreg:$0x0]  }
0x2: {  	s2 =	rddreg [dreg:$0x1]  }
0x3: {  	s0 =	rddreg [dreg:$0x2]  }
0x4: {  	s1 =	srdreg.scid;
	_ =	strace $0x80000047;
	s4 =	simm.s32 $0x1  }
0x5: {  	s9 =	simm.s32 $0x3;
	s11 =	simm.s32 $0x0;
	s5 =	sshll.u32 s1, $0x4  }
.Ltmp0:
0x6: {  	s1 =	stileid.u32;
	s5 =	sand.u32 $0x10, s5;
	(pc) =	sbr.rel .LBB2_1-.Ltmp0, $4  }
0x7: {  	p0 =	por $0x0, $0x0;
	s3 =	sadd.s32 $0x600, s7;
	s6 =	sor.u32 s1, s5  }
0x8: {  	[sflag:s4] =	ssyncpa.u1 $0x0;
	s5 =	simm.s32 $0x2;
	s6 =	sshll.u32 s6, $0x7  }
0x9: {  	s7 =	sadd.s32 $0x400, s7;
	[sflag:s5] =	ssyncpa.u1 $0x0;
	s8 =	sadd.s32 $0x80, s6  }
0xa: {  	vm0 =	vmmov $0xff;
	vm1 =	vcmask $0x3F20;
	[sflag:s9] =	ssyncpa.u1 $0x0;
	s10 =	smov.u32 s6;
	s9 =	simm.s32 $0x0  }
.LBB2_9:
0xb: {  	p1 =	slt.u32 s9, $0x2;
	s11 =	sadd.s32 $0x40, s10  }
0xc: {  	s13 =	smov.u32 s6;
	s9 =	sadd.s32 $0x1, s9;
	p2 =	slt.s32 s11, s8  }
0xd: {  	s13 =	smov.u32 @p2 s11;
	p2 =	sne.s32 s9, $0x4  }
.Ltmp1:
0xe: {  	_ = 	snop;
	(pc) =	sbr.rel @!p2 .LBB2_10-.Ltmp1, $4  }
0xf: {  	s12 =	simm.s32 @!p1 $0x3  }
0x10: {  	_ =	swait.ge @!p1 [sflag:s12], $0x8000  }
0x11: {  	p0 =	por !p0, !p0;
	[sflag:s12] =	ssyncset.done @!p1 $0x0  }
0x12: {  	s11 =	smov.u32 s10;
	s10 =	smov.u32 s13;
	[sflag:s12] =	ssyncadd.s32 @!p1 $0xFFFF8000  }
.LBB2_1:
0x13: {  	p1 =	sgt.u32 s9, $0x1  }
0x14: {  	s12 =	sshll.u32 @!p1 s9, $0x6;
	s13 =	sshrl.u32 @!p1 s10, $0x3  }
0x15: {  	s14 =	sand.u32 @!p1 $0x7, s10;
	s12 =	sxor.u32 @!p1 $0x40, s12;
	s13 =	sadd.s32 @!p1 s7, s13  }
0x16: {  	[tilespmem:s12], [sflag:$0x2] =	stream.linear.gather @!p1 [hbm4b:s13+s14], $0x40, $0x38;
	[tilespmem:$0x10080] =	vst v63  }
0x17: {  	p1 =	seq.s32 s9, $0x0  }
0x18: {  	p2 =	seq.s32 @!p1 s9, $0x3  }
0x19: {  	p1 =	por p1, p2  }
.Ltmp2:
0x1a: {  	_ = 	snop;
	(pc) =	sbr.rel @p1 .LBB2_9-.Ltmp2, $1  }
0x1b: {  	_ =	sdelay $0x3  }
0x1c: {  	s12 =	simm.s32 $0x1  }
0x1d: {  	s12 =	simm.s32 @!p0 $0x0  }
0x1e: {  	_ =	swait.ge [sflag:s5], $0x40;
	s13 =	sand.u32 $0x1, s9;
	s12 =	sshll.u32 s12, $0xF  }
0x1f: {  	s14 =	simm.s32 $0x0;
	[sflag:s5] =	ssyncset.done $0x0;
	s12 =	sor.u32 $0x80, s12  }
0x20: {  	s13 =	sshll.u32 s13, $0x6;
	[sflag:s5] =	ssyncadd.s32 $0xFFFFFFC0;
	s15 =	smov.u32 s12  }
.LBB2_3:
0x21: {  	s16 =	sshll.u32 s14, $0x4  }
0x22: {  	s16 =	sand.u32 $0x3FFFFFF0, s16  }
0x23: {  	s16 =	sadd.s32 s16, s13  }
0x24: {  	v0 =	vld.msk [tilespmem:s16+$0x0 ss:$0x1], $0xffff;
	_ =	sdelay $0x4  }
0x25: {  	vm2 =	vgt.s32 v0, $0x0  }
0x26: {  	v0 =	vnsel vm2, $0x0, v0  }
0x27: {  	v0 =	vmin.u32 v0, $0xFFF  }
0x28: {  	v1 =	vshll.u32 v0, $0x6;
	v0 =	vshll.u32 v0, $0x4  }
0x29: {  	v1 =	vand.u32 $0x3FE00, v1;
	v0 =	vand.u32 $0x70, v0  }
0x2a: {  	v0 =	vor.u32 v0, v1;
	_ =	sdelay $0x3  }
0x2b: {  	s17 =	sadd.s32 $0x0, s15  }
0x2c: {  	[tilespmem:s17], [sflag:$0x1] =	stream.indirect_vreg.gather [hbm:s3], $0x80, v0, vm0, $0x38;
	[tilespmem:$0x10080] =	vst v63  }
0x2d: {  	s16 =	simm.s32 $0x1000;
	v1 =	vadd.s32 $0x80, v0;
	s17 =	sadd.s32 $0x1000, s17  }
.LBB2_4:
0x2e: {  	[tilespmem:s17], [sflag:$0x1] =	stream.indirect_vreg.gather [hbm:s3], $0x80, v0, vm1, $0x38;
	[tilespmem:$0x10080] =	vst v63  }
0x2f: {  	v0 =	vmov v1;
	s17 =	smov.u32 s16;
	p1 =	sne.s32 s16, $0x3000  }
.Ltmp3:
0x30: {  	s16 =	sadd.s32 $0x1000, s16;
	(pc) =	sbr.rel @p1 .LBB2_4-.Ltmp3, $4  }
0x31: {  	s17 =	sshra.s32 s17, $0x2  }
0x32: {  	s17 =	sadd.s32 s17, s15  }
0x33: {  	[tilespmem:s17], [sflag:$0x1] =	stream.indirect_vreg.gather [hbm:s3], $0x80, v1, vm0, $0x38;
	[tilespmem:$0x10080] =	vst v63  }
0x34: {  	s17 =	sadd.s32 $0x1000, s17;
	v1 =	vadd.s32 $0x80, v1  }
0x35: {  	s14 =	sadd.s32 $0x1, s14  }
0x36: {  	p1 =	sne.s32 s14, $0x4  }
.Ltmp4:
0x37: {  	_ = 	snop;
	(pc) =	sbr.rel @p1 .LBB2_3-.Ltmp4, $3  }
0x38: {  	_ =	sdelay $0x1  }
0x39: {  	[tilespmem:s17], [sflag:$0x1] =	stream.indirect_vreg.gather [hbm:s3], $0x80, v0, vm1, $0x38;
	[tilespmem:$0x10080] =	vst v63  }
0x3a: {  	s15 =	sadd.s32 $0x2000, s15  }
0x3b: {  	s13 =	sshll.u32 s11, $0x6  }
0x3c: {  	s31 =	sshll.u32 s11, $0x4;
	s13 =	sand.u32 $0xFFFFFE00, s13  }
0x3d: {  	_ =	swait.ge [sflag:s4], $0x8000;
	s11 =	sand.u32 $0x70, s31;
	s13 =	sadd.s32 s13, s2  }
0x3e: {  	s14 =	sadd.s32 $0x1000, s12;
	[sflag:s4] =	ssyncset.done $0x0;
	s11 =	sadd.s32 s11, s13  }
0x3f: {  	[sflag:s4] =	ssyncadd.s32 $0xFFFF8000;
	s13 =	simm.s32 $0x200;
	s15 =	sadd.s32 $0x0, s11  }
.LBB2_7:
0x40: {  	[hbm:s15] =	stream.linear.scatter [tilespmem:s12], [sflag:$0x3], $0x1000, $0x38;
	[tilespmem:$0x10080] =	vst v63  }
0x41: {  	s15 =	smov.u32 s13;
	s12 =	smov.u32 s14;
	p1 =	sne.s32 s13, $0xE00  }
.Ltmp5:
0x42: {  	s13 =	sadd.s32 $0x200, s13;
	(pc) =	sbr.rel @p1 .LBB2_7-.Ltmp5, $2  }
0x43: {  	_ =	sdelay $0x2  }
0x44: {  	s14 =	sadd.s32 $0x1000, s14;
	s15 =	sadd.s32 s15, s11  }
.Ltmp6:
0x45: {  	(pc) =	sbr.rel .LBB2_9-.Ltmp6, $2  }
0x46: {  	_ =	sdelay $0x2  }
0x47: {  	[hbm:s15] =	stream.linear.scatter [tilespmem:s12], [sflag:$0x3], $0x1000, $0x38;
	[tilespmem:$0x10080] =	vst v63  }
.LBB2_10:
0x48: {  	_ =	sfence.sel $0x180000  }
0x49: {  	s2 =	simm.s32 $0x2;
	[bflag:$0x0] =	sbarrier.arrive $0xFFFF  }
0x4a: {  	s30 =	simm.s32 $0x3;
	[sflag:s2] =	ssyncpa.u1 $0x1  }
0x4b: {  	s31 =	simm.s32 $0x1;
	[sflag:s30] =	ssyncpa.u1 $0x1  }
0x4c: {  	[sflag:s31] =	ssyncpa.u1 $0x1  }
0x4d: {  	p0 =	sne.s32 s1, $0x0;
	_ =	strace $0x90000047  }
0x4e: {  	s0 =	sadd.s32 @!p0 $0x100000, s0;
	[bflag:$0x2] =	sbarrier.arrive $0xFFFF  }
0x4f: {  	[sflag:s0] =	ssyncadd.tile.s32 @!p0 $0x1;
	_ =	shalt  }
.Lfunc_end2:
_tile_overlayer_lowered:
.L_overlay_start_2:
0x50: {  	(tag) =	ssettag $0x2  }
0x51: {  	s0 =	rddreg [dreg:$0x0];
	s2 =	stileid.u32  }
0x52: {  	s1 =	rddreg [dreg:$0x1];
	p0 =	sne.s32 s2, $0x0  }
0x53: {  	s3 =	rddreg [dreg:$0x2];
	[bflag:$0x3] =	sbarrier.arrive $0xFFFF;
	s2 =	simm.s32 @!p0 $0x1C01  }
0x54: {  	[timem:s3], [sflag:s2] =	dma.local @!p0 [hbm:s0], s1  }
0x55: {  	s0 =	simm.s32 @!p0 $0x1  }
0x56: {  	_ =	swait.ge @!p0 [sflag:s0], s1  }
0x57: {  	s1 =	ssub.s32 @!p0 $0x0, s1;
	[sflag:s0] =	ssyncset.done @!p0 $0x0  }
0x58: {  	[sflag:s0] =	ssyncadd.s32 @!p0 s1  }
0x59: {  	[bflag:$0x3] =	sbarrier.arrive $0xFFFF  }
0x5a: {  	_ =	shalt  }

</sc_bundles>
